<compile_context>
chip_gen: v7x
topology: tpu7x:2x2x1
jax: 0.10.2.dev20260603
libtpu: 0.0.44.dev20260713+nightly
codegen_flags: <defaults>
</compile_context>

<pallas_src>
import jax
import jax.numpy as jnp
from jax.experimental import pallas as pl
from jax.experimental.pallas import tpu as pltpu

N = 2048
K = 512
R2 = 0.2 * 0.2
BI = 256
BJ = 256
BJR = BJ // 4
NJ = N // BJ
NEG = -1e30
RMARG = 0.2 + 1e-4


def _leaky(v):
    return jnp.maximum(v, 0.2 * v)


def _layer_kernel(bi_ref, bj_ref, pos_ref, px_ref, py_ref, pz_ref, x4_ref,
                  xres_ref, A_ref, W4_ref, cb1t_ref, W2b_ref, cb2t_ref,
                  lW1_ref, lb1_ref, lW2_ref, lb2_ref, tW_ref, tb_ref,
                  out_ref, acc_ref):
    iid = pl.program_id(0)
    jid = pl.program_id(1)

    @pl.when(jid == 0)
    def _init():
        acc_ref[...] = jnp.full((BI, 128), NEG, dtype=jnp.float32)

    ok = jnp.logical_and(bj_ref[0, jid] <= bi_ref[1, iid] + RMARG,
                         bi_ref[0, iid] <= bj_ref[1, jid] + RMARG)

    @pl.when(ok)
    def _tile():
        pos_i = pos_ref[...]

        pi = [jnp.broadcast_to(pos_i[:, c:c + 1], (BI, 128))[:, None, :]
              for c in range(3)]
        pj = [r[...][None, :, :] for r in (px_ref, py_ref, pz_ref)]
        d2 = (pi[0] - pj[0]) ** 2 + (pi[1] - pj[1]) ** 2 \
            + (pi[2] - pj[2]) ** 2
        pen = jnp.where(d2 < R2, cb2t_ref[...][None, :, :],
                        NEG).reshape(BI * BJR, 128)

        s_j = jnp.dot(x4_ref[...], W4_ref[...],
                      preferred_element_type=jnp.float32) + cb1t_ref[...]
        u_i = jnp.dot(pos_i, A_ref[...], preferred_element_type=jnp.float32)
        u_t = jnp.concatenate([u_i, u_i, u_i, u_i], axis=1)
        h1 = _leaky(s_j[None, :, :] - u_t[:, None, :])

        z = (jnp.dot(h1.reshape(BI * BJR, 128), W2b_ref[...],
                     preferred_element_type=jnp.float32)
             + pen).reshape(BI, BJR, 128)
        acc_ref[...] = jnp.maximum(acc_ref[...], jnp.max(z, axis=1))

    @pl.when(jid == NJ - 1)
    def _epilogue():
        a = acc_ref[...]
        m = jnp.maximum(jnp.maximum(a[:, 0:32], a[:, 32:64]),
                        jnp.maximum(a[:, 64:96], a[:, 96:128]))
        m = jnp.maximum(m, 0.0)
        x_i = jnp.dot(m, lW1_ref[...],
                      preferred_element_type=jnp.float32) + lb1_ref[...]
        x_i = jnp.maximum(x_i, 0.0)
        x_i = jnp.dot(x_i, lW2_ref[...],
                      preferred_element_type=jnp.float32) + lb2_ref[...]
        out_ref[...] = jnp.dot(xres_ref[...], tW_ref[...],
                               preferred_element_type=jnp.float32) \
            + tb_ref[...] + x_i


def _run_layer(pos, x, cW1, cb1, cW2, cb2, lW1, lb1, lW2, lb2, tW, tb):
    eye4 = jnp.eye(4, dtype=jnp.float32)
    A = cW1[:3, :]
    W4 = jnp.kron(eye4, cW1)
    W2b = jnp.kron(eye4, cW2)
    cb1t = jnp.tile(cb1, 4).reshape(1, 128)
    cb2t = jnp.tile(cb2, 4).reshape(1, 128)
    x4 = jnp.concatenate([pos, x], axis=1).reshape(N // 4, 140)
    ppk = [jnp.repeat(pos[:, c], 32).reshape(N // 4, 128) for c in range(3)]
    xs = pos[:, 0]
    bnd_i = jnp.stack([xs.reshape(N // BI, BI)[:, 0],
                       xs.reshape(N // BI, BI)[:, -1]])
    bnd_j = jnp.stack([xs.reshape(NJ, BJ)[:, 0],
                       xs.reshape(NJ, BJ)[:, -1]])

    return pl.pallas_call(
        _layer_kernel,
        grid=(N // BI, NJ),
        in_specs=[
            pl.BlockSpec(memory_space=pltpu.SMEM),
            pl.BlockSpec(memory_space=pltpu.SMEM),
            pl.BlockSpec((BI, 3), lambda i, j: (i, 0)),
            pl.BlockSpec((BJR, 128), lambda i, j: (j, 0)),
            pl.BlockSpec((BJR, 128), lambda i, j: (j, 0)),
            pl.BlockSpec((BJR, 128), lambda i, j: (j, 0)),
            pl.BlockSpec((BJR, 140), lambda i, j: (j, 0)),
            pl.BlockSpec((BI, 32), lambda i, j: (i, 0)),
            pl.BlockSpec((3, 32), lambda i, j: (0, 0)),
            pl.BlockSpec((140, 128), lambda i, j: (0, 0)),
            pl.BlockSpec((1, 128), lambda i, j: (0, 0)),
            pl.BlockSpec((128, 128), lambda i, j: (0, 0)),
            pl.BlockSpec((1, 128), lambda i, j: (0, 0)),
            pl.BlockSpec((32, 32), lambda i, j: (0, 0)),
            pl.BlockSpec((1, 32), lambda i, j: (0, 0)),
            pl.BlockSpec((32, 32), lambda i, j: (0, 0)),
            pl.BlockSpec((1, 32), lambda i, j: (0, 0)),
            pl.BlockSpec((32, 32), lambda i, j: (0, 0)),
            pl.BlockSpec((1, 32), lambda i, j: (0, 0)),
        ],
        out_specs=pl.BlockSpec((BI, 32), lambda i, j: (i, 0)),
        out_shape=jax.ShapeDtypeStruct((N, 32), jnp.float32),
        scratch_shapes=[
            pltpu.VMEM((BI, 128), jnp.float32),
        ],
        compiler_params=pltpu.CompilerParams(
            dimension_semantics=("parallel", "arbitrary")),
    )(bnd_i, bnd_j, pos, ppk[0], ppk[1], ppk[2], x4, x,
      A, W4, cb1t, W2b, cb2t,
      lW1, lb1.reshape(1, 32), lW2, lb2.reshape(1, 32), tW, tb.reshape(1, 32))


def kernel(positions, features, cW1_0, cb1_0, cW2_0, cb2_0, lW1_0, lb1_0,
           lW2_0, lb2_0, tW_0, tb_0, cW1_1, cb1_1, cW2_1, cb2_1, lW1_1, lb1_1,
           lW2_1, lb2_1, tW_1, tb_1):
    pos = positions[0]
    x = features[0]
    order = jnp.argsort(pos[:, 0])
    pos = jnp.take(pos, order, axis=0)
    x = jnp.take(x, order, axis=0)
    x = _run_layer(pos, x, cW1_0, cb1_0, cW2_0, cb2_0,
                   lW1_0, lb1_0, lW2_0, lb2_0, tW_0, tb_0)
    x = _run_layer(pos, x, cW1_1, cb1_1, cW2_1, cb2_1,
                   lW1_1, lb1_1, lW2_1, lb2_1, tW_1, tb_1)
    x = jnp.zeros_like(x).at[order].set(x)
    return x[None, :, :]

# --- scband reference (transcript-rebuilt; emitter-appended) ---
"""Pipeline reference for scband-point-net2-seg-63419487093387 (READ-ONLY COPY).

The authoritative reference and input builder live on the scoring server;
editing this copy changes nothing except your own understanding.
"""

import jax, jax.numpy as jnp
import numpy as np

B, N, I, O, NL, K = 1, 2048, 32, 32, 2, 512
RADIUS = 0.2


def _linear_init(key, fan_in, fan_out):
    k1, k2 = jax.random.split(key)
    bound = 1.0 / np.sqrt(fan_in)
    W = jax.random.uniform(k1, (fan_in, fan_out), minval=-bound, maxval=bound, dtype=jnp.float32)
    b = jax.random.uniform(k2, (fan_out,), minval=-bound, maxval=bound, dtype=jnp.float32)
    return W, b


def setup_inputs(seed: int = 0):
    key = jax.random.key(seed)
    keys = jax.random.split(key, 2 + NL * 5)
    inp = {}
    inp["positions"] = jax.random.uniform(keys[0], (B, N, 3), dtype=jnp.float32)
    inp["features"] = jax.random.normal(keys[1], (B, N, I), dtype=jnp.float32)
    for i in range(NL):
        cin = (I if i == 0 else O) + 3
        tin = I if i == 0 else O
        base = keys[2 + 5 * i]
        W, b = _linear_init(jax.random.fold_in(base, 0), cin, O)
        inp["cW1_%d" % i], inp["cb1_%d" % i] = W, b
        W, b = _linear_init(jax.random.fold_in(base, 1), O, O)
        inp["cW2_%d" % i], inp["cb2_%d" % i] = W, b
        W, b = _linear_init(jax.random.fold_in(base, 2), O, O)
        inp["lW1_%d" % i], inp["lb1_%d" % i] = W, b
        W, b = _linear_init(jax.random.fold_in(base, 3), O, O)
        inp["lW2_%d" % i], inp["lb2_%d" % i] = W, b
        W, b = _linear_init(jax.random.fold_in(base, 4), tin, O)
        inp["tW_%d" % i], inp["tb_%d" % i] = W, b
    return inp


def _ball_query(p1, p2, k, radius):
    # pytorch3d-style ball_query: for each p1[i], first k indices of p2 within radius, -1 padded
    d2 = jnp.sum((p1[:, :, None, :] - p2[:, None, :, :]) ** 2, axis=-1)  # [B, N1, N2]
    n2 = p2.shape[1]
    within = d2 < radius * radius
    cand = jnp.where(within, jnp.arange(n2)[None, None, :], n2)
    idx_sorted = jnp.sort(cand, axis=-1)[:, :, :k]
    idx = jnp.where(idx_sorted == n2, -1, idx_sorted)
    return idx


def _index_points(points, idx):
    # points [B, N, C], idx [B, S, K] -> [B, S, K, C]; -1 is padding (masked later)
    gi = jnp.where(idx < 0, 0, idx)
    return jnp.take_along_axis(points[:, None, :, :], gi[..., None], axis=2)


def _forward(positions, features, params):
    x, pos = features, positions
    for i in range(NL):
        cW1, cb1, cW2, cb2, lW1, lb1, lW2, lb2, tW, tb = params[i]
        # ratio == 1.0 so new_xyz == xyz (no farthest point sampling)
        idx = _ball_query(pos, pos, K, RADIUS)
        mask = (idx != -1).astype(jnp.float32)
        grouped_xyz = _index_points(pos, idx)
        grouped_xyz_norm = grouped_xyz - pos[:, :, None, :]
        grouped_pts = _index_points(x, idx)
        new_points = jnp.concatenate([grouped_xyz_norm, grouped_pts], axis=-1)
        h = jax.nn.leaky_relu(new_points @ cW1 + cb1, negative_slope=0.2)
        h = jax.nn.leaky_relu(h @ cW2 + cb2, negative_slope=0.2)
        h = h * mask[..., None]
        x_i = jnp.max(h, axis=2)
        x_i = jax.nn.relu(x_i @ lW1 + lb1) @ lW2 + lb2
        x = x @ tW + tb
        x = x + x_i
    return x


def reference(positions, features, cW1_0, cb1_0, cW2_0, cb2_0, lW1_0, lb1_0, lW2_0, lb2_0, tW_0, tb_0, cW1_1, cb1_1, cW2_1, cb2_1, lW1_1, lb1_1, lW2_1, lb2_1, tW_1, tb_1):
    params = [
        (cW1_0, cb1_0, cW2_0, cb2_0, lW1_0, lb1_0, lW2_0, lb2_0, tW_0, tb_0),
        (cW1_1, cb1_1, cW2_1, cb2_1, lW1_1, lb1_1, lW2_1, lb2_1, tW_1, tb_1),
    ]
    return _forward(positions, features, params)

if __name__ == "__main__":
    import jax
    _d = setup_inputs()
    print(jax.jit(kernel)(*tuple(_d.values())))

</pallas_src>

<mosaic_0001>
module attributes {stable_mosaic.version = 14 : i64} {
  func.func @_layer_kernel(%arg0: i32, %arg1: i32, %arg2: memref<2x8xf32, #tpu.memory_space<smem>>, %arg3: memref<2x8xf32, #tpu.memory_space<smem>>, %arg4: memref<256x3xf32, #tpu.memory_space<vmem>>, %arg5: memref<64x128xf32, #tpu.memory_space<vmem>>, %arg6: memref<64x128xf32, #tpu.memory_space<vmem>>, %arg7: memref<64x128xf32, #tpu.memory_space<vmem>>, %arg8: memref<64x140xf32, #tpu.memory_space<vmem>>, %arg9: memref<256x32xf32, #tpu.memory_space<vmem>>, %arg10: memref<3x32xf32, #tpu.memory_space<vmem>>, %arg11: memref<140x128xf32, #tpu.memory_space<vmem>>, %arg12: memref<1x128xf32, #tpu.memory_space<vmem>>, %arg13: memref<128x128xf32, #tpu.memory_space<vmem>>, %arg14: memref<1x128xf32, #tpu.memory_space<vmem>>, %arg15: memref<32x32xf32, #tpu.memory_space<vmem>>, %arg16: memref<1x32xf32, #tpu.memory_space<vmem>>, %arg17: memref<32x32xf32, #tpu.memory_space<vmem>>, %arg18: memref<1x32xf32, #tpu.memory_space<vmem>>, %arg19: memref<32x32xf32, #tpu.memory_space<vmem>>, %arg20: memref<1x32xf32, #tpu.memory_space<vmem>>, %arg21: memref<256x32xf32, #tpu.memory_space<vmem>>, %arg22: memref<256x128xf32, #tpu.memory_space<vmem>>) attributes {dimension_semantics = [#tpu.dimension_semantics<parallel>, #tpu.dimension_semantics<arbitrary>], iteration_bounds = array<i64: 8, 8>, scalar_prefetch = 0 : i64, scratch_operands = 1 : i64, tpu.core_type = #tpu.core_type<tc>, window_params = [{transform_indices = @transform_0, window_bounds = array<i64: 2, 8>}, {transform_indices = @transform_1, window_bounds = array<i64: 2, 8>}, {transform_indices = @transform_2, window_bounds = array<i64: 256, 3>}, {transform_indices = @transform_3, window_bounds = array<i64: 64, 128>}, {transform_indices = @transform_4, window_bounds = array<i64: 64, 128>}, {transform_indices = @transform_5, window_bounds = array<i64: 64, 128>}, {transform_indices = @transform_6, window_bounds = array<i64: 64, 140>}, {transform_indices = @transform_7, window_bounds = array<i64: 256, 32>}, {pipeline_mode = #tpu.pipeline_mode<synchronous>, transform_indices = @transform_8, window_bounds = array<i64: 3, 32>}, {pipeline_mode = #tpu.pipeline_mode<synchronous>, transform_indices = @transform_9, window_bounds = array<i64: 140, 128>}, {pipeline_mode = #tpu.pipeline_mode<synchronous>, transform_indices = @transform_10, window_bounds = array<i64: 1, 128>}, {pipeline_mode = #tpu.pipeline_mode<synchronous>, transform_indices = @transform_11, window_bounds = array<i64: 128, 128>}, {pipeline_mode = #tpu.pipeline_mode<synchronous>, transform_indices = @transform_12, window_bounds = array<i64: 1, 128>}, {pipeline_mode = #tpu.pipeline_mode<synchronous>, transform_indices = @transform_13, window_bounds = array<i64: 32, 32>}, {pipeline_mode = #tpu.pipeline_mode<synchronous>, transform_indices = @transform_14, window_bounds = array<i64: 1, 32>}, {pipeline_mode = #tpu.pipeline_mode<synchronous>, transform_indices = @transform_15, window_bounds = array<i64: 32, 32>}, {pipeline_mode = #tpu.pipeline_mode<synchronous>, transform_indices = @transform_16, window_bounds = array<i64: 1, 32>}, {pipeline_mode = #tpu.pipeline_mode<synchronous>, transform_indices = @transform_17, window_bounds = array<i64: 32, 32>}, {pipeline_mode = #tpu.pipeline_mode<synchronous>, transform_indices = @transform_18, window_bounds = array<i64: 1, 32>}, {transform_indices = @transform_19, window_bounds = array<i64: 256, 32>}]} {
    %eq3A = arith.constant 0 : i32
    %eq3A_0 = arith.cmpi eq, %arg1, %eq3A : i32
    %convert_element_type3A = arith.extui %eq3A_0 : i1 to i32
    %cond3A = arith.constant 0 : i32
    %cond3A_1 = arith.cmpi ne, %convert_element_type3A, %cond3A : i32
    scf.if %cond3A_1 {
      %broadcast_in_dim3A = arith.constant -1.000000e+30 : f32
      %broadcast_in_dim3A_25 = vector.broadcast %broadcast_in_dim3A : f32 to vector<256x128xf32>
      %swap3A = arith.constant 0 : index
      %swap3A_26 = arith.constant 0 : index
      %swap3A_27 = vector.load %arg22[%swap3A, %swap3A_26] : memref<256x128xf32, #tpu.memory_space<vmem>>, vector<256x128xf32>
      tpu.vector_store %arg22[%swap3A, %swap3A_26], %broadcast_in_dim3A_25 {strides = array<i32>} : memref<256x128xf32, #tpu.memory_space<vmem>>, vector<256x128xf32>,
    } else {
    }
    %get3A = arith.constant 0 : index
    %get3A_2 = arith.index_cast %arg1 : i32 to index
    %get3A_3 = memref.load %arg3[%get3A, %get3A_2] : memref<2x8xf32, #tpu.memory_space<smem>>
    %get3A_4 = arith.constant 1 : index
    %get3A_5 = arith.index_cast %arg0 : i32 to index
    %get3A_6 = memref.load %arg2[%get3A_4, %get3A_5] : memref<2x8xf32, #tpu.memory_space<smem>>
    %add3A = arith.constant 2.001000e-01 : f32
    %add3A_7 = arith.addf %get3A_6, %add3A : f32
    %le3A = arith.cmpf ole, %get3A_3, %add3A_7 : f32
    %get3A_8 = arith.constant 0 : index
    %get3A_9 = arith.index_cast %arg0 : i32 to index
    %get3A_10 = memref.load %arg2[%get3A_8, %get3A_9] : memref<2x8xf32, #tpu.memory_space<smem>>
    %get3A_11 = arith.constant 1 : index
    %get3A_12 = arith.index_cast %arg1 : i32 to index
    %get3A_13 = memref.load %arg3[%get3A_11, %get3A_12] : memref<2x8xf32, #tpu.memory_space<smem>>
    %add3A_14 = arith.constant 2.001000e-01 : f32
    %add3A_15 = arith.addf %get3A_13, %add3A_14 : f32
    %le3A_16 = arith.cmpf ole, %get3A_10, %add3A_15 : f32
    %and3A = arith.andi %le3A, %le3A_16 : i1
    %convert_element_type3A_17 = arith.extui %and3A : i1 to i32
    %cond3A_18 = arith.constant 0 : i32
    %cond3A_19 = arith.cmpi ne, %convert_element_type3A_17, %cond3A_18 : i32
    scf.if %cond3A_19 {
      %get3A_25 = arith.constant 0 : index
      %get3A_26 = arith.constant 0 : index
      %get3A_27 = vector.load %arg4[%get3A_25, %get3A_26] : memref<256x3xf32, #tpu.memory_space<vmem>>, vector<256x3xf32>
      %slice3A = vector.extract_strided_slice %get3A_27 {offsets = [0, 0], sizes = [256, 1], strides = [1, 1]} : vector<256x3xf32> to vector<256x1xf32>
      %broadcast_in_dim3A = vector.shape_cast %slice3A : vector<256x1xf32> to vector<256x1xf32>
      %broadcast_in_dim3A_28 = vector.broadcast %broadcast_in_dim3A : vector<256x1xf32> to vector<256x128xf32>
      %broadcast_in_dim3A_29 = vector.shape_cast %broadcast_in_dim3A_28 : vector<256x128xf32> to vector<256x1x128xf32>
      %slice3A_30 = vector.extract_strided_slice %get3A_27 {offsets = [0, 1], sizes = [256, 1], strides = [1, 1]} : vector<256x3xf32> to vector<256x1xf32>
      %broadcast_in_dim3A_31 = vector.shape_cast %slice3A_30 : vector<256x1xf32> to vector<256x1xf32>
      %broadcast_in_dim3A_32 = vector.broadcast %broadcast_in_dim3A_31 : vector<256x1xf32> to vector<256x128xf32>
      %broadcast_in_dim3A_33 = vector.shape_cast %broadcast_in_dim3A_32 : vector<256x128xf32> to vector<256x1x128xf32>
      %slice3A_34 = vector.extract_strided_slice %get3A_27 {offsets = [0, 2], sizes = [256, 1], strides = [1, 1]} : vector<256x3xf32> to vector<256x1xf32>
      %broadcast_in_dim3A_35 = vector.shape_cast %slice3A_34 : vector<256x1xf32> to vector<256x1xf32>
      %broadcast_in_dim3A_36 = vector.broadcast %broadcast_in_dim3A_35 : vector<256x1xf32> to vector<256x128xf32>
      %broadcast_in_dim3A_37 = vector.shape_cast %broadcast_in_dim3A_36 : vector<256x128xf32> to vector<256x1x128xf32>
      %get3A_38 = arith.constant 0 : index
      %get3A_39 = arith.constant 0 : index
      %get3A_40 = vector.load %arg5[%get3A_38, %get3A_39] : memref<64x128xf32, #tpu.memory_space<vmem>>, vector<64x128xf32>
      %broadcast_in_dim3A_41 = vector.shape_cast %get3A_40 : vector<64x128xf32> to vector<1x64x128xf32>
      %get3A_42 = arith.constant 0 : index
      %get3A_43 = arith.constant 0 : index
      %get3A_44 = vector.load %arg6[%get3A_42, %get3A_43] : memref<64x128xf32, #tpu.memory_space<vmem>>, vector<64x128xf32>
      %broadcast_in_dim3A_45 = vector.shape_cast %get3A_44 : vector<64x128xf32> to vector<1x64x128xf32>
      %get3A_46 = arith.constant 0 : index
      %get3A_47 = arith.constant 0 : index
      %get3A_48 = vector.load %arg7[%get3A_46, %get3A_47] : memref<64x128xf32, #tpu.memory_space<vmem>>, vector<64x128xf32>
      %broadcast_in_dim3A_49 = vector.shape_cast %get3A_48 : vector<64x128xf32> to vector<1x64x128xf32>
      %sub3A = vector.broadcast %broadcast_in_dim3A_29 : vector<256x1x128xf32> to vector<256x64x128xf32>
      %sub3A_50 = vector.broadcast %broadcast_in_dim3A_41 : vector<1x64x128xf32> to vector<256x64x128xf32>
      %sub3A_51 = arith.subf %sub3A, %sub3A_50 : vector<256x64x128xf32>
      %integer_pow3A = arith.mulf %sub3A_51, %sub3A_51 : vector<256x64x128xf32>
      %sub3A_52 = vector.broadcast %broadcast_in_dim3A_33 : vector<256x1x128xf32> to vector<256x64x128xf32>
      %sub3A_53 = vector.broadcast %broadcast_in_dim3A_45 : vector<1x64x128xf32> to vector<256x64x128xf32>
      %sub3A_54 = arith.subf %sub3A_52, %sub3A_53 : vector<256x64x128xf32>
      %integer_pow3A_55 = arith.mulf %sub3A_54, %sub3A_54 : vector<256x64x128xf32>
      %add3A_56 = arith.addf %integer_pow3A, %integer_pow3A_55 : vector<256x64x128xf32>
      %sub3A_57 = vector.broadcast %broadcast_in_dim3A_37 : vector<256x1x128xf32> to vector<256x64x128xf32>
      %sub3A_58 = vector.broadcast %broadcast_in_dim3A_49 : vector<1x64x128xf32> to vector<256x64x128xf32>
      %sub3A_59 = arith.subf %sub3A_57, %sub3A_58 : vector<256x64x128xf32>
      %integer_pow3A_60 = arith.mulf %sub3A_59, %sub3A_59 : vector<256x64x128xf32>
      %add3A_61 = arith.addf %add3A_56, %integer_pow3A_60 : vector<256x64x128xf32>
      %lt3A = arith.constant 4.000000e-02 : f32
      %lt3A_62 = vector.broadcast %lt3A : f32 to vector<256x64x128xf32>
      %lt3A_63 = arith.cmpf olt, %add3A_61, %lt3A_62 : vector<256x64x128xf32>
      %get3A_64 = arith.constant 0 : index
      %get3A_65 = arith.constant 0 : index
      %get3A_66 = vector.load %arg14[%get3A_64, %get3A_65] : memref<1x128xf32, #tpu.memory_space<vmem>>, vector<1x128xf32>
      %broadcast_in_dim3A_67 = vector.shape_cast %get3A_66 : vector<1x128xf32> to vector<1x1x128xf32>
      %jit3A = arith.constant -1.000000e+30 : f32
      %broadcast_in_dim3A_68 = vector.shape_cast %broadcast_in_dim3A_67 : vector<1x1x128xf32> to vector<1x1x128xf32>
      %broadcast_in_dim3A_69 = vector.broadcast %broadcast_in_dim3A_68 : vector<1x1x128xf32> to vector<256x64x128xf32>
      %broadcast_in_dim3A_70 = vector.broadcast %jit3A : f32 to vector<256x64x128xf32>
      %select_n3A = arith.select %lt3A_63, %broadcast_in_dim3A_69, %broadcast_in_dim3A_70 : vector<256x64x128xi1>, vector<256x64x128xf32>
      %reshape3A = vector.shape_cast %select_n3A : vector<256x64x128xf32> to vector<16384x128xf32>
      %get3A_71 = arith.constant 0 : index
      %get3A_72 = arith.constant 0 : index
      %get3A_73 = vector.load %arg8[%get3A_71, %get3A_72] : memref<64x140xf32, #tpu.memory_space<vmem>>, vector<64x140xf32>
      %get3A_74 = arith.constant 0 : index
      %get3A_75 = arith.constant 0 : index
      %get3A_76 = vector.load %arg11[%get3A_74, %get3A_75] : memref<140x128xf32, #tpu.memory_space<vmem>>, vector<140x128xf32>
      %dot_general3A = arith.constant dense<0.000000e+00> : vector<64x128xf32>
      %dot_general3A_77 = tpu.matmul %get3A_73, %get3A_76, %dot_general3A {dimension_numbers = #tpu.dot_dimension_numbers<[1], [0], [0], [1], [0, 0, 1, 1], [], []>, transpose_lhs_hint = false} : vector<64x140xf32>, vector<140x128xf32>, vector<64x128xf32> -> vector<64x128xf32>
      %get3A_78 = arith.constant 0 : index
      %get3A_79 = arith.constant 0 : index
      %get3A_80 = vector.load %arg12[%get3A_78, %get3A_79] : memref<1x128xf32, #tpu.memory_space<vmem>>, vector<1x128xf32>
      %add3A_81 = vector.broadcast %get3A_80 : vector<1x128xf32> to vector<64x128xf32>
      %add3A_82 = arith.addf %dot_general3A_77, %add3A_81 : vector<64x128xf32>
      %get3A_83 = arith.constant 0 : index
      %get3A_84 = arith.constant 0 : index
      %get3A_85 = vector.load %arg10[%get3A_83, %get3A_84] : memref<3x32xf32, #tpu.memory_space<vmem>>, vector<3x32xf32>
      %dot_general3A_86 = arith.constant dense<0.000000e+00> : vector<256x32xf32>
      %dot_general3A_87 = tpu.matmul %get3A_27, %get3A_85, %dot_general3A_86 {dimension_numbers = #tpu.dot_dimension_numbers<[1], [0], [0], [1], [0, 0, 1, 1], [], []>, transpose_lhs_hint = false} : vector<256x3xf32>, vector<3x32xf32>, vector<256x32xf32> -> vector<256x32xf32>
      %concatenate3A = tpu.concatenate %dot_general3A_87, %dot_general3A_87, %dot_general3A_87, %dot_general3A_87 in 1 : vector<256x32xf32>, vector<256x32xf32>, vector<256x32xf32>, vector<256x32xf32> -> vector<256x128xf32>
      %broadcast_in_dim3A_88 = vector.shape_cast %add3A_82 : vector<64x128xf32> to vector<1x64x128xf32>
      %broadcast_in_dim3A_89 = vector.shape_cast %concatenate3A : vector<256x128xf32> to vector<256x1x128xf32>
      %sub3A_90 = vector.broadcast %broadcast_in_dim3A_88 : vector<1x64x128xf32> to vector<256x64x128xf32>
      %sub3A_91 = vector.broadcast %broadcast_in_dim3A_89 : vector<256x1x128xf32> to vector<256x64x128xf32>
      %sub3A_92 = arith.subf %sub3A_90, %sub3A_91 : vector<256x64x128xf32>
      %mul3A = arith.constant 2.000000e-01 : f32
      %mul3A_93 = vector.broadcast %mul3A : f32 to vector<256x64x128xf32>
      %mul3A_94 = arith.mulf %mul3A_93, %sub3A_92 : vector<256x64x128xf32>
      %max3A = arith.maximumf %sub3A_92, %mul3A_94 : vector<256x64x128xf32>
      %reshape3A_95 = vector.shape_cast %max3A : vector<256x64x128xf32> to vector<16384x128xf32>
      %get3A_96 = arith.constant 0 : index
      %get3A_97 = arith.constant 0 : index
      %get3A_98 = vector.load %arg13[%get3A_96, %get3A_97] : memref<128x128xf32, #tpu.memory_space<vmem>>, vector<128x128xf32>
      %dot_general3A_99 = arith.constant dense<0.000000e+00> : vector<16384x128xf32>
      %dot_general3A_100 = tpu.matmul %reshape3A_95, %get3A_98, %dot_general3A_99 {dimension_numbers = #tpu.dot_dimension_numbers<[1], [0], [0], [1], [0, 0, 1, 1], [], []>, transpose_lhs_hint = false} : vector<16384x128xf32>, vector<128x128xf32>, vector<16384x128xf32> -> vector<16384x128xf32>
      %add3A_101 = arith.addf %dot_general3A_100, %reshape3A : vector<16384x128xf32>
      %reshape3A_102 = vector.shape_cast %add3A_101 : vector<16384x128xf32> to vector<256x64x128xf32>
      %get3A_103 = arith.constant 0 : index
      %get3A_104 = arith.constant 0 : index
      %get3A_105 = vector.load %arg22[%get3A_103, %get3A_104] : memref<256x128xf32, #tpu.memory_space<vmem>>, vector<256x128xf32>
      %reduce_max3A = arith.constant dense<0xFF800000> : vector<256x128xf32>
      %reduce_max3A_106 = vector.multi_reduction <maximumf>, %reshape3A_102, %reduce_max3A [1] : vector<256x64x128xf32> to vector<256x128xf32>
      %max3A_107 = arith.maximumf %get3A_105, %reduce_max3A_106 : vector<256x128xf32>
      %swap3A = arith.constant 0 : index
      %swap3A_108 = arith.constant 0 : index
      %swap3A_109 = vector.load %arg22[%swap3A, %swap3A_108] : memref<256x128xf32, #tpu.memory_space<vmem>>, vector<256x128xf32>
      tpu.vector_store %arg22[%swap3A, %swap3A_108], %max3A_107 {strides = array<i32>} : memref<256x128xf32, #tpu.memory_space<vmem>>, vector<256x128xf32>,
    } else {
    }
    %eq3A_20 = arith.constant 7 : i32
    %eq3A_21 = arith.cmpi eq, %arg1, %eq3A_20 : i32
    %convert_element_type3A_22 = arith.extui %eq3A_21 : i1 to i32
    %cond3A_23 = arith.constant 0 : i32
    %cond3A_24 = arith.cmpi ne, %convert_element_type3A_22, %cond3A_23 : i32
    scf.if %cond3A_24 {
      %get3A_25 = arith.constant 0 : index
      %get3A_26 = arith.constant 0 : index
      %get3A_27 = vector.load %arg22[%get3A_25, %get3A_26] : memref<256x128xf32, #tpu.memory_space<vmem>>, vector<256x128xf32>
      %slice3A = vector.extract_strided_slice %get3A_27 {offsets = [0, 0], sizes = [256, 32], strides = [1, 1]} : vector<256x128xf32> to vector<256x32xf32>
      %slice3A_28 = vector.extract_strided_slice %get3A_27 {offsets = [0, 32], sizes = [256, 32], strides = [1, 1]} : vector<256x128xf32> to vector<256x32xf32>
      %max3A = arith.maximumf %slice3A, %slice3A_28 : vector<256x32xf32>
      %slice3A_29 = vector.extract_strided_slice %get3A_27 {offsets = [0, 64], sizes = [256, 32], strides = [1, 1]} : vector<256x128xf32> to vector<256x32xf32>
      %slice3A_30 = vector.extract_strided_slice %get3A_27 {offsets = [0, 96], sizes = [256, 32], strides = [1, 1]} : vector<256x128xf32> to vector<256x32xf32>
      %max3A_31 = arith.maximumf %slice3A_29, %slice3A_30 : vector<256x32xf32>
      %max3A_32 = arith.maximumf %max3A, %max3A_31 : vector<256x32xf32>
      %max3A_33 = arith.constant 0.000000e+00 : f32
      %max3A_34 = vector.broadcast %max3A_33 : f32 to vector<256x32xf32>
      %max3A_35 = arith.maximumf %max3A_32, %max3A_34 : vector<256x32xf32>
      %get3A_36 = arith.constant 0 : index
      %get3A_37 = arith.constant 0 : index
      %get3A_38 = vector.load %arg15[%get3A_36, %get3A_37] : memref<32x32xf32, #tpu.memory_space<vmem>>, vector<32x32xf32>
      %dot_general3A = arith.constant dense<0.000000e+00> : vector<256x32xf32>
      %dot_general3A_39 = tpu.matmul %max3A_35, %get3A_38, %dot_general3A {dimension_numbers = #tpu.dot_dimension_numbers<[1], [0], [0], [1], [0, 0, 1, 1], [], []>, transpose_lhs_hint = false} : vector<256x32xf32>, vector<32x32xf32>, vector<256x32xf32> -> vector<256x32xf32>
      %get3A_40 = arith.constant 0 : index
      %get3A_41 = arith.constant 0 : index
      %get3A_42 = vector.load %arg16[%get3A_40, %get3A_41] : memref<1x32xf32, #tpu.memory_space<vmem>>, vector<1x32xf32>
      %add3A_43 = vector.broadcast %get3A_42 : vector<1x32xf32> to vector<256x32xf32>
      %add3A_44 = arith.addf %dot_general3A_39, %add3A_43 : vector<256x32xf32>
      %max3A_45 = arith.constant 0.000000e+00 : f32
      %max3A_46 = vector.broadcast %max3A_45 : f32 to vector<256x32xf32>
      %max3A_47 = arith.maximumf %add3A_44, %max3A_46 : vector<256x32xf32>
      %get3A_48 = arith.constant 0 : index
      %get3A_49 = arith.constant 0 : index
      %get3A_50 = vector.load %arg17[%get3A_48, %get3A_49] : memref<32x32xf32, #tpu.memory_space<vmem>>, vector<32x32xf32>
      %dot_general3A_51 = arith.constant dense<0.000000e+00> : vector<256x32xf32>
      %dot_general3A_52 = tpu.matmul %max3A_47, %get3A_50, %dot_general3A_51 {dimension_numbers = #tpu.dot_dimension_numbers<[1], [0], [0], [1], [0, 0, 1, 1], [], []>, transpose_lhs_hint = false} : vector<256x32xf32>, vector<32x32xf32>, vector<256x32xf32> -> vector<256x32xf32>
      %get3A_53 = arith.constant 0 : index
      %get3A_54 = arith.constant 0 : index
      %get3A_55 = vector.load %arg18[%get3A_53, %get3A_54] : memref<1x32xf32, #tpu.memory_space<vmem>>, vector<1x32xf32>
      %add3A_56 = vector.broadcast %get3A_55 : vector<1x32xf32> to vector<256x32xf32>
      %add3A_57 = arith.addf %dot_general3A_52, %add3A_56 : vector<256x32xf32>
      %get3A_58 = arith.constant 0 : index
      %get3A_59 = arith.constant 0 : index
      %get3A_60 = vector.load %arg9[%get3A_58, %get3A_59] : memref<256x32xf32, #tpu.memory_space<vmem>>, vector<256x32xf32>
      %get3A_61 = arith.constant 0 : index
      %get3A_62 = arith.constant 0 : index
      %get3A_63 = vector.load %arg19[%get3A_61, %get3A_62] : memref<32x32xf32, #tpu.memory_space<vmem>>, vector<32x32xf32>
      %dot_general3A_64 = arith.constant dense<0.000000e+00> : vector<256x32xf32>
      %dot_general3A_65 = tpu.matmul %get3A_60, %get3A_63, %dot_general3A_64 {dimension_numbers = #tpu.dot_dimension_numbers<[1], [0], [0], [1], [0, 0, 1, 1], [], []>, transpose_lhs_hint = false} : vector<256x32xf32>, vector<32x32xf32>, vector<256x32xf32> -> vector<256x32xf32>
      %get3A_66 = arith.constant 0 : index
      %get3A_67 = arith.constant 0 : index
      %get3A_68 = vector.load %arg20[%get3A_66, %get3A_67] : memref<1x32xf32, #tpu.memory_space<vmem>>, vector<1x32xf32>
      %add3A_69 = vector.broadcast %get3A_68 : vector<1x32xf32> to vector<256x32xf32>
      %add3A_70 = arith.addf %dot_general3A_65, %add3A_69 : vector<256x32xf32>
      %add3A_71 = arith.addf %add3A_70, %add3A_57 : vector<256x32xf32>
      %swap3A = arith.constant 0 : index
      %swap3A_72 = arith.constant 0 : index
      %swap3A_73 = vector.load %arg21[%swap3A, %swap3A_72] : memref<256x32xf32, #tpu.memory_space<vmem>>, vector<256x32xf32>
      tpu.vector_store %arg21[%swap3A, %swap3A_72], %add3A_71 {strides = array<i32>} : memref<256x32xf32, #tpu.memory_space<vmem>>, vector<256x32xf32>,
    } else {
    }
    return
  }
  func.func @transform_0(%arg0: i32, %arg1: i32) -> (i32, i32) {
    %c0_i32 = arith.constant 0 : i32
    %c0_i32_0 = arith.constant 0 : i32
    %c0_i32_1 = arith.constant 0 : i32
    return %c0_i32, %c0_i32_0 : i32, i32
  }
  func.func @transform_1(%arg0: i32, %arg1: i32) -> (i32, i32) {
    %c0_i32 = arith.constant 0 : i32
    %c0_i32_0 = arith.constant 0 : i32
    %c0_i32_1 = arith.constant 0 : i32
    return %c0_i32, %c0_i32_0 : i32, i32
  }
  func.func @transform_2(%arg0: i32, %arg1: i32) -> (i32, i32) {
    %c0_i32 = arith.constant 0 : i32
    %c0_i32_0 = arith.constant 0 : i32
    return %arg0, %c0_i32 : i32, i32
  }
  func.func @transform_3(%arg0: i32, %arg1: i32) -> (i32, i32) {
    %c0_i32 = arith.constant 0 : i32
    %c0_i32_0 = arith.constant 0 : i32
    return %arg1, %c0_i32 : i32, i32
  }
  func.func @transform_4(%arg0: i32, %arg1: i32) -> (i32, i32) {
    %c0_i32 = arith.constant 0 : i32
    %c0_i32_0 = arith.constant 0 : i32
    return %arg1, %c0_i32 : i32, i32
  }
  func.func @transform_5(%arg0: i32, %arg1: i32) -> (i32, i32) {
    %c0_i32 = arith.constant 0 : i32
    %c0_i32_0 = arith.constant 0 : i32
    return %arg1, %c0_i32 : i32, i32
  }
  func.func @transform_6(%arg0: i32, %arg1: i32) -> (i32, i32) {
    %c0_i32 = arith.constant 0 : i32
    %c0_i32_0 = arith.constant 0 : i32
    return %arg1, %c0_i32 : i32, i32
  }
  func.func @transform_7(%arg0: i32, %arg1: i32) -> (i32, i32) {
    %c0_i32 = arith.constant 0 : i32
    %c0_i32_0 = arith.constant 0 : i32
    return %arg0, %c0_i32 : i32, i32
  }
  func.func @transform_8(%arg0: i32, %arg1: i32) -> (i32, i32) {
    %c0_i32 = arith.constant 0 : i32
    %c0_i32_0 = arith.constant 0 : i32
    %c0_i32_1 = arith.constant 0 : i32
    return %c0_i32, %c0_i32_0 : i32, i32
  }
  func.func @transform_9(%arg0: i32, %arg1: i32) -> (i32, i32) {
    %c0_i32 = arith.constant 0 : i32
    %c0_i32_0 = arith.constant 0 : i32
    %c0_i32_1 = arith.constant 0 : i32
    return %c0_i32, %c0_i32_0 : i32, i32
  }
  func.func @transform_10(%arg0: i32, %arg1: i32) -> (i32, i32) {
    %c0_i32 = arith.constant 0 : i32
    %c0_i32_0 = arith.constant 0 : i32
    %c0_i32_1 = arith.constant 0 : i32
    return %c0_i32, %c0_i32_0 : i32, i32
  }
  func.func @transform_11(%arg0: i32, %arg1: i32) -> (i32, i32) {
    %c0_i32 = arith.constant 0 : i32
    %c0_i32_0 = arith.constant 0 : i32
    %c0_i32_1 = arith.constant 0 : i32
    return %c0_i32, %c0_i32_0 : i32, i32
  }
  func.func @transform_12(%arg0: i32, %arg1: i32) -> (i32, i32) {
    %c0_i32 = arith.constant 0 : i32
    %c0_i32_0 = arith.constant 0 : i32
    %c0_i32_1 = arith.constant 0 : i32
    return %c0_i32, %c0_i32_0 : i32, i32
  }
  func.func @transform_13(%arg0: i32, %arg1: i32) -> (i32, i32) {
    %c0_i32 = arith.constant 0 : i32
    %c0_i32_0 = arith.constant 0 : i32
    %c0_i32_1 = arith.constant 0 : i32
    return %c0_i32, %c0_i32_0 : i32, i32
  }
  func.func @transform_14(%arg0: i32, %arg1: i32) -> (i32, i32) {
    %c0_i32 = arith.constant 0 : i32
    %c0_i32_0 = arith.constant 0 : i32
    %c0_i32_1 = arith.constant 0 : i32
    return %c0_i32, %c0_i32_0 : i32, i32
  }
  func.func @transform_15(%arg0: i32, %arg1: i32) -> (i32, i32) {
    %c0_i32 = arith.constant 0 : i32
    %c0_i32_0 = arith.constant 0 : i32
    %c0_i32_1 = arith.constant 0 : i32
    return %c0_i32, %c0_i32_0 : i32, i32
  }
  func.func @transform_16(%arg0: i32, %arg1: i32) -> (i32, i32) {
    %c0_i32 = arith.constant 0 : i32
    %c0_i32_0 = arith.constant 0 : i32
    %c0_i32_1 = arith.constant 0 : i32
    return %c0_i32, %c0_i32_0 : i32, i32
  }
  func.func @transform_17(%arg0: i32, %arg1: i32) -> (i32, i32) {
    %c0_i32 = arith.constant 0 : i32
    %c0_i32_0 = arith.constant 0 : i32
    %c0_i32_1 = arith.constant 0 : i32
    return %c0_i32, %c0_i32_0 : i32, i32
  }
  func.func @transform_18(%arg0: i32, %arg1: i32) -> (i32, i32) {
    %c0_i32 = arith.constant 0 : i32
    %c0_i32_0 = arith.constant 0 : i32
    %c0_i32_1 = arith.constant 0 : i32
    return %c0_i32, %c0_i32_0 : i32, i32
  }
  func.func @transform_19(%arg0: i32, %arg1: i32) -> (i32, i32) {
    %c0_i32 = arith.constant 0 : i32
    %c0_i32_0 = arith.constant 0 : i32
    return %arg0, %c0_i32 : i32, i32
  }
}

</mosaic_0001>

<sc_bundles>
// kernel: gather_offload_async_start.1
scs
__scs_entry_jumppad:
0x0: {  	(pc) =	sbr.rel $0x88, $3  }
0x1: {  	(tag) =	ssettag $0x0;
	lr =	simm.s32 $0x1  }
0x2: {  	[smem:$0x3F8B] =	sst lr;
	_ =	strace $0xD0000000  }
0x3: {  	_ = 	snop  }
0x4: {  	_ = 	snop  }
0x5: {  	_ = 	snop  }
0x6: {  	_ = 	snop  }
0x7: {  	_ = 	snop  }
__scs_overlays_trampoline_lowered:
0x8: {  	[smem:$0x3F9A] =	sst s0  }
0x9: {  	[smem:$0x3F9B] =	sst s1  }
0xa: {  	[smem:$0x3F9C] =	sst s2  }
0xb: {  	[smem:$0x3F9D] =	sst s3  }
0xc: {  	[smem:$0x3F9E] =	sst s4  }
0xd: {  	[smem:$0x3F9F] =	sst s5  }
0xe: {  	[smem:$0x3FA0] =	sst s6  }
0xf: {  	[smem:$0x3FA1] =	sst s7  }
0x10: {  	[smem:$0x3FA2] =	sst s8  }
0x11: {  	[smem:$0x3FA3] =	sst s9;
	s0 =	simm.s32 @!p0 $0x0  }
0x12: {  	s1 =	sld [smem:$0x3F89];
	s0 =	simm.s32 @p0 $0x1  }
0x13: {  	[smem:$0x3FA4] =	sst s0;
	s0 =	simm.s32 @!p1 $0x0  }
0x14: {  	s2 =	sld [smem:$0x3F88];
	s0 =	simm.s32 @p1 $0x1  }
0x15: {  	[smem:$0x3FA5] =	sst s0;
	s0 =	simm.s32 @!p2 $0x0  }
0x16: {  	s3 =	sld [smem:$0x3FDB];
	s0 =	simm.s32 @p2 $0x1  }
0x17: {  	s4 =	simm.s32 $0x1BF5;
	[smem:$0x3FA7] =	sst s0  }
0x18: {  	s0 =	sld [smem:$0x3F8A];
	_ =	swait.ge [sflag:s4], $0x0  }
0x19: {  	s7 =	sld [smem:$0x3F8B]  }
0x1a: {  	s8 =	sadd.s32 $0xFFFFE003, lr  }
0x1b: {  	s9 =	sadd.s32 $0xFFFFFEF7, lr;
	s5 =	simm.s32 $0xFFFFFFFF;
	p2 =	slt.u32 s8, $0xFFFFF086  }
0x1c: {  	p1 =	slt.u32 s9, $0xF7A;
	s5 =	simm.s32 @!p2 $0x0  }
0x1d: {  	s5 =	simm.s32 @p1 $0x1;
	p0 =	seq.s32 s7, s2  }
0x1e: {  	s7 =	smul.u32 @!p0 $0xF7A, s2;
	p2 =	seq.s32 @!p0 s5, $0x0  }
0x1f: {  	s9 =	smul.u32 $0xF7A, s1;
	s8 =	simm.s32 @!p0 $0x1BF5;
	p2 =	por !p2, p0  }
0x20: {  	[sflag:s8] =	ssyncset.s32 @!p0 $0xFFFFF086;
	s6 =	sadd.s32 @!p0 s3, s7;
	s7 =	simm.s32 @!p0 $0x108  }
0x21: {  	s3 =	sadd.s32 s3, s9;
	s6 =	sadd.s32 @!p0 $0x88, s6;
	s7 =	simm.s32 @p2 $0x1082  }
0x22: {  	[simem:s7], [sflag:s8] =	dma.local @!p0 [hbm:s6], $0xF7A  }
0x23: {  	s9 =	sor.u32 $0xD0000000, s2;
	s6 =	simm.s32 $0x108;
	_ =	swait.ge @!p0 [sflag:s8], $0x0  }
0x24: {  	s3 =	sadd.s32 $0x88, s3;
	s6 =	simm.s32 @!p1 $0x1082;
	[sflag:s4] =	ssyncset.s32 $0xFFFFF086  }
0x25: {  	[simem:s6], [sflag:s4] =	dma.local [hbm:s3], $0xF7A  }
0x26: {  	[smem:$0x3F8B] =	sst s1;
	(tag) =	ssettag s2;
	_ =	strace s9  }
0x27: {  	s1 =	sld [smem:$0x3F9B]  }
0x28: {  	s2 =	sld [smem:$0x3F9C]  }
0x29: {  	s4 =	sld [smem:$0x3F9E]  }
0x2a: {  	p0 =	seq.s32 s5, $0x0;
	s5 =	sld [smem:$0x3F9F]  }
0x2b: {  	s6 =	sld [smem:$0x3FA0]  }
0x2c: {  	s7 =	sld [smem:$0x3FA1]  }
0x2d: {  	s3 =	simm.s32 $0x108;
	s8 =	sld [smem:$0x3FA2]  }
0x2e: {  	s3 =	simm.s32 @!p0 $0x1082;
	s9 =	sld [smem:$0x3FA3]  }
0x2f: {  	lr =	sadd.s32 s0, s3;
	s0 =	sld [smem:$0x3F9A]  }
0x30: {  	s3 =	sld [smem:$0x3F9D]  }
0x31: {  	[smem:$0x3FA6] =	sst s10  }
0x32: {  	s10 =	sld [smem:$0x3FA4];
	_ =	sdelay $0x3  }
0x33: {  	p0 =	seq.s32 s10, $0x1;
	s10 =	sld [smem:$0x3FA6];
	_ =	sdelay $0x3  }
0x34: {  	[smem:$0x3FA6] =	sst s10  }
0x35: {  	s10 =	sld [smem:$0x3FA5];
	_ =	sdelay $0x3  }
0x36: {  	p1 =	seq.s32 s10, $0x1;
	s10 =	sld [smem:$0x3FA6];
	_ =	sdelay $0x3  }
0x37: {  	[smem:$0x3FA6] =	sst s10  }
0x38: {  	s10 =	sld [smem:$0x3FA7]  }
0x39: {  	_ = 	snop;
	(pc) =	sbr.ind lr, $3  }
0x3a: {  	_ = 	snop  }
0x3b: {  	_ = 	snop  }
0x3c: {  	p2 =	seq.s32 s10, $0x1;
	s10 =	sld [smem:$0x3FA6]  }
0x3d: {  	_ =	shalt  }
0x3e: {  	_ =	shalt  }
0x3f: {  	_ =	shalt  }
0x40: {  	_ =	shalt  }
0x41: {  	_ =	shalt  }
0x42: {  	_ =	shalt  }
0x43: {  	_ =	shalt  }
0x44: {  	_ =	shalt  }
0x45: {  	_ =	shalt  }
0x46: {  	_ =	shalt  }
0x47: {  	_ =	shalt  }
0x48: {  	_ =	shalt  }
0x49: {  	_ =	shalt  }
0x4a: {  	_ =	shalt  }
0x4b: {  	_ =	shalt  }
0x4c: {  	_ =	shalt  }
0x4d: {  	_ =	shalt  }
0x4e: {  	_ =	shalt  }
0x4f: {  	_ =	shalt  }
0x50: {  	_ =	shalt  }
0x51: {  	_ =	shalt  }
0x52: {  	_ =	shalt  }
0x53: {  	_ =	shalt  }
0x54: {  	_ =	shalt  }
0x55: {  	_ =	shalt  }
0x56: {  	_ =	shalt  }
0x57: {  	_ =	shalt  }
0x58: {  	_ =	shalt  }
0x59: {  	_ =	shalt  }
0x5a: {  	_ =	shalt  }
0x5b: {  	_ =	shalt  }
0x5c: {  	_ =	shalt  }
0x5d: {  	_ =	shalt  }
0x5e: {  	_ =	shalt  }
0x5f: {  	_ =	shalt  }
0x60: {  	_ =	shalt  }
0x61: {  	_ =	shalt  }
0x62: {  	_ =	shalt  }
0x63: {  	_ =	shalt  }
0x64: {  	_ =	shalt  }
0x65: {  	_ =	shalt  }
0x66: {  	_ =	shalt  }
0x67: {  	_ =	shalt  }
0x68: {  	_ =	shalt  }
0x69: {  	_ =	shalt  }
0x6a: {  	_ =	shalt  }
0x6b: {  	_ =	shalt  }
0x6c: {  	_ =	shalt  }
0x6d: {  	_ =	shalt  }
0x6e: {  	_ =	shalt  }
0x6f: {  	_ =	shalt  }
0x70: {  	_ =	shalt  }
0x71: {  	_ =	shalt  }
0x72: {  	_ =	shalt  }
0x73: {  	_ =	shalt  }
0x74: {  	_ =	shalt  }
0x75: {  	_ =	shalt  }
0x76: {  	_ =	shalt  }
0x77: {  	_ =	shalt  }
0x78: {  	_ =	shalt  }
0x79: {  	_ =	shalt  }
0x7a: {  	_ =	shalt  }
0x7b: {  	_ =	shalt  }
0x7c: {  	_ =	shalt  }
0x7d: {  	_ =	shalt  }
0x7e: {  	_ =	shalt  }
0x7f: {  	_ =	shalt  }
0x80: {  	_ =	shalt  }
0x81: {  	_ =	shalt  }
0x82: {  	_ =	shalt  }
0x83: {  	_ =	shalt  }
0x84: {  	_ =	shalt  }
0x85: {  	_ =	shalt  }
0x86: {  	_ =	shalt  }
0x87: {  	_ =	shalt  }
.Lfunc_end0:
.L_simem_size_0:
called_computation.1_lowered:
.L_overlay_start_0:
0x88: {  	s2 =	sld [smem:$0x3FD9]  }
0x89: {  	s3 =	sld [smem:$0x3FFE];
	_ =	sdelay $0x1  }
0x8a: {  	s1 =	srdreg.scid  }
0x8b: {  	s0 =	sand.u32 $0x1, s1  }
0x8c: {  	s17 =	sshll.u32 s0, $0xA;
	s2 =	sadd.s32 s3, s2  }
0x8d: {  	s2 =	sadd.s32 s2, s17  }
0x8e: {  	[smem:$0x3FB2] =	sst s2  }
0x8f: {  	_ = 	snop  }
0x90: {  	s2 =	sld [smem:$0x3FD0];
	(tm) =	ssettm $0x1  }
0x91: {  	s18 =	sld [smem:$0x3FFB];
	_ =	sdelay $0x3  }
0x92: {  	_ =	strace s18  }
0x93: {  	s3 =	sld [smem:$0x3FFC];
	_ =	sdelay $0x3  }
0x94: {  	_ =	strace s3  }
0x95: {  	s3 =	sld [smem:$0x3FFD];
	_ =	sdelay $0x3  }
0x96: {  	_ =	strace s3  }
0x97: {  	_ =	strace $0x8FFFFFFF  }
0x98: {  	s19 =	sld [smem:$0x3FDB];
	_ =	sdelay $0x1  }
0x99: {  	s4 =	simm.s32 $_scs_section_size  }
0x9a: {  	s5 =	simm.s32 $_size__tile_overlayer_lowered;
	s6 =	simm.s32 $_tile_overlayer_lowered  }
0x9b: {  	s22 =	simm.s32 $0x1BFF;
	s21 =	sshll.u32 s6, $0x1;
	s3 =	sadd.s32 s4, s19  }
0x9c: {  	s7 =	simm.s32 $0x0;
	s20 =	sshll.u32 s5, $0x1;
	s5 =	sadd.s32 s21, s3  }
0x9d: {  	[timem:s7], [sflag:s22] =	dma.local [hbm:s5], s20  }
0x9e: {  	_ =	swait.ge [sflag:s22], s20  }
0x9f: {  	s4 =	ssub.s32 $0x0, s20;
	[sflag:s22] =	ssyncset.done $0x0  }
0xa0: {  	[sflag:s22] =	ssyncadd.s32 s4;
	_ =	sdelay $0x1  }
0xa1: {  	s23 =	simm.s32 $0x1B8B  }
0xa2: {  	_ =	swait.ge [sflag:s23], $0x1  }
0xa3: {  	[sflag:s23] =	ssyncset.done $0x0  }
0xa4: {  	s25 =	simm.s32 $0x1B8E;
	s24 =	sld [smem:$0x3FFE];
	[sflag:s23] =	ssyncadd.s32 $0xFFFFFFFF  }
0xa5: {  	s26 =	simm.s32 $execute0_lowered;
	[smem:$0x3FD2] =	sst s25  }
0xa6: {  	s5 =	sshll.u32 s26, $0x1;
	_ =	strace $0x80000049;
	[dreg:$0x1] =	wrdreg $0xFFFFFFFF  }
0xa7: {  	s28 =	simm.s32 $_size_execute0_lowered;
	s3 =	sadd.s32 s3, s5;
	[dreg:$0x0] =	wrdreg $0x0  }
0xa8: {  	s5 =	sshll.u32 s28, $0x1;
	[dreg:$0x2] =	wrdreg s3  }
0xa9: {  	[dreg:$0x3] =	wrdreg s5  }
0xaa: {  	[dreg:$0x4] =	wrdreg $0xC0  }
0xab: {  	_ =	task [dreg:s7], $0x5FFFF  }
0xac: {  	[dreg:$0x1] =	wrdreg $0xFFFFFFFF  }
0xad: {  	[dreg:$0x0] =	wrdreg $0x60  }
0xae: {  	[dreg:$0x2] =	wrdreg s24  }
0xaf: {  	[dreg:$0x3] =	wrdreg s2  }
0xb0: {  	[dreg:$0x4] =	wrdreg $0x9  }
0xb1: {  	_ =	task.clear_ibuf [dreg:s7], $0x5FFFF;
	_ =	strace $0x90000049  }
0xb2: {  	s29 =	simm.s32 $0x9;
	_ =	strace $0x8000004B  }
0xb3: {  	_ =	swait.ge [sflag:s29], $0x1  }
0xb4: {  	[sflag:s29] =	ssyncadd.s32 $0xFFFFFFFF  }
0xb5: {  	_ =	strace $0x9000004B  }
0xb6: {  	_ =	sfence  }
0xb7: {  	s30 =	sld [smem:$0x0];
	_ =	sdelay $0x2  }
0xb8: {  	s31 =	sshll.u32 s1, $0xD;
	s1 =	sshrl.u32 s1, $0x2  }
0xb9: {  	s3 =	sand.u32 $0x4000, s31;
	s1 =	sadd.s32 s1, s30  }
0xba: {  	s0 =	sor.u32 s3, s0;
	s1 =	sshll.u32 s1, $0x11  }
0xbb: {  	s0 =	sor.u32 s1, s0  }
0xbc: {  	s0 =	sadd.s32 $0x8F2B, s0  }
0xbd: {  	[sflag:s0] =	ssyncadd.remote.s32 $0x1  }
0xbe: {  	_ =	sfence.sel $0xFFFF  }
0xbf: {  	[dreg:$0x0] =	wrdreg $0xFFFFFFFF;
	(pc) =	sbr.abs _section_cstart, $3  }
0xc0: {  	[dreg:$0x1] =	wrdreg $0xFFFFFFFF  }
0xc1: {  	_ =	task.clear_ibuf [dreg:s7], $0x2FFFF;
	_ =	strace $0x9FFFFFFF  }
0xc2: {  	(tm) =	ssettm $0x7FFFFFFF  }
0xc3: {  	_ =	shalt  }
tec
execute0_lowered:
.L_overlay_start_1:
0x0: {  	(tag) =	ssettag $0x1  }
0x1: {  	s2 =	rddreg [dreg:$0x0]  }
0x2: {  	s3 =	rddreg [dreg:$0x1]  }
0x3: {  	s0 =	rddreg [dreg:$0x2];
	s1 =	srdreg.scid;
	_ =	strace $0x8000004A  }
0x4: {  	s4 =	simm.s32 $0x1;
	s9 =	simm.s32 $0x3;
	s5 =	sshll.u32 s1, $0x4  }
.Ltmp0:
0x5: {  	s1 =	stileid.u32;
	s5 =	sand.u32 $0x10, s5;
	(pc) =	sbr.rel .LBB2_1-.Ltmp0, $4  }
0x6: {  	s12 =	simm.s32 $0x0;
	s10 =	simm.s32 $0x0;
	s6 =	sor.u32 s1, s5  }
0x7: {  	[sflag:s4] =	ssyncpa.u1 $0x0;
	s5 =	simm.s32 $0x2;
	s6 =	sshll.u32 s6, $0x6  }
0x8: {  	s7 =	sadd.s32 $0x10000, s2;
	[sflag:s5] =	ssyncpa.u1 $0x0;
	s8 =	sadd.s32 $0x40, s6  }
0x9: {  	vm0 =	vmmov $0xff;
	vm1 =	vcmask $0x3F20;
	[sflag:s9] =	ssyncpa.u1 $0x0;
	s9 =	simm.s32 $0x40;
	s11 =	smov.u32 s6  }
.LBB2_9:
0xa: {  	p0 =	seq.s32 s10, $0x2  }
.Ltmp1:
0xb: {  	_ = 	snop;
	(pc) =	sbr.rel @p0 .LBB2_11-.Ltmp1, $1  }
0xc: {  	_ =	sdelay $0x3  }
.LBB2_10:
0xd: {  	s12 =	sadd.s32 $0x40, s11  }
0xe: {  	s13 =	smov.u32 s6;
	p0 =	slt.s32 s12, s8  }
0xf: {  	s13 =	smov.u32 @p0 s12  }
0x10: {  	s10 =	sadd.s32 $0x1, s10;
	s12 =	smov.u32 s11;
	s11 =	smov.u32 s13  }
.LBB2_1:
0x11: {  	p0 =	sne.s32 s10, $0x0  }
.Ltmp2:
0x12: {  	_ = 	snop;
	(pc) =	sbr.rel @!p0 .LBB2_2-.Ltmp2, $1  }
0x13: {  	_ =	sdelay $0x3  }
0x14: {  	s13 =	sand.u32 $0x1, s10  }
0x15: {  	p0 =	seq.s32 s13, $0x0  }
.Ltmp3:
0x16: {  	_ = 	snop;
	(pc) =	sbr.rel @p0 .LBB2_9-.Ltmp3, $1  }
0x17: {  	_ =	sdelay $0x3  }
0x18: {  	_ =	swait.ge [sflag:s5], $0x40  }
0x19: {  	[sflag:s5] =	ssyncset.done $0x0  }
0x1a: {  	s13 =	simm.s32 $0x0;
	[sflag:s5] =	ssyncadd.s32 $0xFFFFFFC0  }
0x1b: {  	v0 =	vld.msk [tilespmem:s13+$0x40 ss:$0x1], $0xffff;
	_ =	sdelay $0x4  }
0x1c: {  	vm2 =	vgt.s32 v0, $0x0  }
0x1d: {  	v0 =	vnsel vm2, $0x0, v0  }
0x1e: {  	v0 =	vmin.u32 v0, $0x7FF  }
0x1f: {  	v0 =	vshll.u32 v0, $0x4;
	_ =	sdelay $0x3  }
0x20: {  	s13 =	simm.s32 $0x2080  }
0x21: {  	[tilespmem:s13], [sflag:$0x1] =	stream.indirect_vreg.gather [hbm:s7], $0x80, v0, vm0, $0x38;
	[tilespmem:$0x4080] =	vst v63  }
0x22: {  	s14 =	simm.s32 $0x2480;
	s31 =	simm.s32 $0x10  }
0x23: {  	[tilespmem:s14], [sflag:$0x1] =	stream.indirect_vreg.gather [hbm:s7], $0x80, v0, vm1, $0x38;
	[tilespmem:$0x4080] =	vst v63  }
0x24: {  	s14 =	simm.s32 $0x80;
	v0 =	vld.msk [tilespmem:s31+$0x40 ss:$0x1], $0xffff  }
.LBB2_5:
0x25: {  	p0 =	sne.s32 s14, $0xC0;
	_ =	sdelay $0x4  }
0x26: {  	vm2 =	vgt.s32 v0, $0x0  }
0x27: {  	v0 =	vnsel vm2, $0x0, v0  }
0x28: {  	v0 =	vmin.u32 v0, $0x7FF  }
0x29: {  	v0 =	vshll.u32 v0, $0x4;
	_ =	sdelay $0x3  }
.Ltmp4:
0x2a: {  	s13 =	sadd.s32 $0x800, s13;
	(pc) =	sbr.rel @p0 .LBB2_5-.Ltmp4, $4  }
0x2b: {  	[tilespmem:s13], [sflag:$0x1] =	stream.indirect_vreg.gather [hbm:s7], $0x80, v0, vm0, $0x38;
	[tilespmem:$0x4080] =	vst v63  }
0x2c: {  	s15 =	sshra.s32 s14, $0x2;
	s16 =	sadd.s32 $0x400, s13  }
0x2d: {  	[tilespmem:s16], [sflag:$0x1] =	stream.indirect_vreg.gather [hbm:s7], $0x80, v0, vm1, $0x38;
	[tilespmem:$0x4080] =	vst v63  }
0x2e: {  	s14 =	sadd.s32 $0x40, s14;
	v0 =	vld.msk [tilespmem:s15+$0x40 ss:$0x1], $0xffff  }
0x2f: {  	_ =	sdelay $0x3  }
0x30: {  	vm2 =	vgt.s32 v0, $0x0  }
0x31: {  	v0 =	vnsel vm2, $0x0, v0  }
0x32: {  	v0 =	vmin.u32 v0, $0x7FF  }
0x33: {  	v0 =	vshll.u32 v0, $0x4;
	_ =	sdelay $0x3  }
0x34: {  	s13 =	sadd.s32 $0x800, s13  }
0x35: {  	[tilespmem:s13], [sflag:$0x1] =	stream.indirect_vreg.gather [hbm:s7], $0x80, v0, vm0, $0x38;
	[tilespmem:$0x4080] =	vst v63  }
0x36: {  	s13 =	sadd.s32 $0x400, s13  }
0x37: {  	[tilespmem:s13], [sflag:$0x1] =	stream.indirect_vreg.gather [hbm:s7], $0x80, v0, vm1, $0x38;
	[tilespmem:$0x4080] =	vst v63  }
0x38: {  	s12 =	sshll.u32 s12, $0x4;
	s14 =	simm.s32 $0x80;
	_ =	swait.ge [sflag:s4], $0x2000  }
0x39: {  	s15 =	simm.s32 $0x2480;
	s12 =	sadd.s32 s12, s2;
	[sflag:s4] =	ssyncset.done $0x0  }
0x3a: {  	s16 =	sadd.s32 $0x0, s12;
	s13 =	simm.s32 $0x2080;
	[sflag:s4] =	ssyncadd.s32 $0xFFFFE000  }
.LBB2_7:
0x3b: {  	[hbm:s16] =	stream.linear.scatter [tilespmem:s13], [sflag:$0x3], $0x400, $0x38;
	[tilespmem:$0x4080] =	vst v63  }
0x3c: {  	s16 =	smov.u32 s14;
	s13 =	smov.u32 s15;
	p0 =	sne.s32 s14, $0x380  }
.Ltmp5:
0x3d: {  	s14 =	sadd.s32 $0x80, s14;
	(pc) =	sbr.rel @p0 .LBB2_7-.Ltmp5, $2  }
0x3e: {  	_ =	sdelay $0x2  }
0x3f: {  	s15 =	sadd.s32 $0x400, s15;
	s16 =	sadd.s32 s16, s12  }
.Ltmp6:
0x40: {  	(pc) =	sbr.rel .LBB2_9-.Ltmp6, $2  }
0x41: {  	_ =	sdelay $0x2  }
0x42: {  	[hbm:s16] =	stream.linear.scatter [tilespmem:s13], [sflag:$0x3], $0x400, $0x38;
	[tilespmem:$0x4080] =	vst v63  }
.LBB2_2:
.Ltmp7:
0x43: {  	(pc) =	sbr.rel .LBB2_10-.Ltmp7, $4  }
0x44: {  	_ = 	snop  }
0x45: {  	s12 =	sshrl.u32 s11, $0x3  }
0x46: {  	s13 =	sand.u32 $0x7, s11;
	s12 =	sadd.s32 s3, s12  }
0x47: {  	[tilespmem:s9], [sflag:$0x2] =	stream.linear.gather [hbm4b:s12+s13], $0x40, $0x38;
	[tilespmem:$0x4080] =	vst v63  }
.LBB2_11:
0x48: {  	s2 =	simm.s32 $0x3  }
0x49: {  	_ =	swait.ge [sflag:s2], $0x2000  }
0x4a: {  	[sflag:s2] =	ssyncset.done $0x0  }
0x4b: {  	[sflag:s2] =	ssyncadd.s32 $0xFFFFE000  }
0x4c: {  	_ =	sfence.sel $0x180000  }
0x4d: {  	s3 =	simm.s32 $0x2;
	[bflag:$0x0] =	sbarrier.arrive $0xFFFF  }
0x4e: {  	[sflag:s3] =	ssyncpa.u1 $0x1  }
0x4f: {  	s31 =	simm.s32 $0x1;
	[sflag:s2] =	ssyncpa.u1 $0x1  }
0x50: {  	[sflag:s31] =	ssyncpa.u1 $0x1  }
0x51: {  	p0 =	sne.s32 s1, $0x0;
	_ =	strace $0x9000004A  }
0x52: {  	s0 =	sadd.s32 @!p0 $0x100000, s0;
	[bflag:$0x2] =	sbarrier.arrive $0xFFFF  }
0x53: {  	[sflag:s0] =	ssyncadd.tile.s32 @!p0 $0x1;
	_ =	shalt  }
.Lfunc_end2:
_tile_overlayer_lowered:
.L_overlay_start_2:
0x54: {  	(tag) =	ssettag $0x2  }
0x55: {  	s0 =	rddreg [dreg:$0x0];
	s2 =	stileid.u32  }
0x56: {  	s1 =	rddreg [dreg:$0x1];
	p0 =	sne.s32 s2, $0x0  }
0x57: {  	s3 =	rddreg [dreg:$0x2];
	[bflag:$0x3] =	sbarrier.arrive $0xFFFF;
	s2 =	simm.s32 @!p0 $0x1C01  }
0x58: {  	[timem:s3], [sflag:s2] =	dma.local @!p0 [hbm:s0], s1  }
0x59: {  	s0 =	simm.s32 @!p0 $0x1  }
0x5a: {  	_ =	swait.ge @!p0 [sflag:s0], s1  }
0x5b: {  	s1 =	ssub.s32 @!p0 $0x0, s1;
	[sflag:s0] =	ssyncset.done @!p0 $0x0  }
0x5c: {  	[sflag:s0] =	ssyncadd.s32 @!p0 s1  }
0x5d: {  	[bflag:$0x3] =	sbarrier.arrive $0xFFFF  }
0x5e: {  	_ =	shalt  }

// kernel: gather_offload_async_start
scs
__scs_entry_jumppad:
0x0: {  	(pc) =	sbr.rel $0x88, $3  }
0x1: {  	(tag) =	ssettag $0x0;
	lr =	simm.s32 $0x1  }
0x2: {  	[smem:$0x3F8B] =	sst lr;
	_ =	strace $0xD0000000  }
0x3: {  	_ = 	snop  }
0x4: {  	_ = 	snop  }
0x5: {  	_ = 	snop  }
0x6: {  	_ = 	snop  }
0x7: {  	_ = 	snop  }
__scs_overlays_trampoline_lowered:
0x8: {  	[smem:$0x3F9A] =	sst s0  }
0x9: {  	[smem:$0x3F9B] =	sst s1  }
0xa: {  	[smem:$0x3F9C] =	sst s2  }
0xb: {  	[smem:$0x3F9D] =	sst s3  }
0xc: {  	[smem:$0x3F9E] =	sst s4  }
0xd: {  	[smem:$0x3F9F] =	sst s5  }
0xe: {  	[smem:$0x3FA0] =	sst s6  }
0xf: {  	[smem:$0x3FA1] =	sst s7  }
0x10: {  	[smem:$0x3FA2] =	sst s8  }
0x11: {  	[smem:$0x3FA3] =	sst s9;
	s0 =	simm.s32 @!p0 $0x0  }
0x12: {  	s1 =	sld [smem:$0x3F89];
	s0 =	simm.s32 @p0 $0x1  }
0x13: {  	[smem:$0x3FA4] =	sst s0;
	s0 =	simm.s32 @!p1 $0x0  }
0x14: {  	s2 =	sld [smem:$0x3F88];
	s0 =	simm.s32 @p1 $0x1  }
0x15: {  	[smem:$0x3FA5] =	sst s0;
	s0 =	simm.s32 @!p2 $0x0  }
0x16: {  	s3 =	sld [smem:$0x3FDB];
	s0 =	simm.s32 @p2 $0x1  }
0x17: {  	s4 =	simm.s32 $0x1BF5;
	[smem:$0x3FA7] =	sst s0  }
0x18: {  	s0 =	sld [smem:$0x3F8A];
	_ =	swait.ge [sflag:s4], $0x0  }
0x19: {  	s7 =	sld [smem:$0x3F8B]  }
0x1a: {  	s8 =	sadd.s32 $0xFFFFE003, lr  }
0x1b: {  	s9 =	sadd.s32 $0xFFFFFEF7, lr;
	s5 =	simm.s32 $0xFFFFFFFF;
	p2 =	slt.u32 s8, $0xFFFFF086  }
0x1c: {  	p1 =	slt.u32 s9, $0xF7A;
	s5 =	simm.s32 @!p2 $0x0  }
0x1d: {  	s5 =	simm.s32 @p1 $0x1;
	p0 =	seq.s32 s7, s2  }
0x1e: {  	s7 =	smul.u32 @!p0 $0xF7A, s2;
	p2 =	seq.s32 @!p0 s5, $0x0  }
0x1f: {  	s9 =	smul.u32 $0xF7A, s1;
	s8 =	simm.s32 @!p0 $0x1BF5;
	p2 =	por !p2, p0  }
0x20: {  	[sflag:s8] =	ssyncset.s32 @!p0 $0xFFFFF086;
	s6 =	sadd.s32 @!p0 s3, s7;
	s7 =	simm.s32 @!p0 $0x108  }
0x21: {  	s3 =	sadd.s32 s3, s9;
	s6 =	sadd.s32 @!p0 $0x88, s6;
	s7 =	simm.s32 @p2 $0x1082  }
0x22: {  	[simem:s7], [sflag:s8] =	dma.local @!p0 [hbm:s6], $0xF7A  }
0x23: {  	s9 =	sor.u32 $0xD0000000, s2;
	s6 =	simm.s32 $0x108;
	_ =	swait.ge @!p0 [sflag:s8], $0x0  }
0x24: {  	s3 =	sadd.s32 $0x88, s3;
	s6 =	simm.s32 @!p1 $0x1082;
	[sflag:s4] =	ssyncset.s32 $0xFFFFF086  }
0x25: {  	[simem:s6], [sflag:s4] =	dma.local [hbm:s3], $0xF7A  }
0x26: {  	[smem:$0x3F8B] =	sst s1;
	(tag) =	ssettag s2;
	_ =	strace s9  }
0x27: {  	s1 =	sld [smem:$0x3F9B]  }
0x28: {  	s2 =	sld [smem:$0x3F9C]  }
0x29: {  	s4 =	sld [smem:$0x3F9E]  }
0x2a: {  	p0 =	seq.s32 s5, $0x0;
	s5 =	sld [smem:$0x3F9F]  }
0x2b: {  	s6 =	sld [smem:$0x3FA0]  }
0x2c: {  	s7 =	sld [smem:$0x3FA1]  }
0x2d: {  	s3 =	simm.s32 $0x108;
	s8 =	sld [smem:$0x3FA2]  }
0x2e: {  	s3 =	simm.s32 @!p0 $0x1082;
	s9 =	sld [smem:$0x3FA3]  }
0x2f: {  	lr =	sadd.s32 s0, s3;
	s0 =	sld [smem:$0x3F9A]  }
0x30: {  	s3 =	sld [smem:$0x3F9D]  }
0x31: {  	[smem:$0x3FA6] =	sst s10  }
0x32: {  	s10 =	sld [smem:$0x3FA4];
	_ =	sdelay $0x3  }
0x33: {  	p0 =	seq.s32 s10, $0x1;
	s10 =	sld [smem:$0x3FA6];
	_ =	sdelay $0x3  }
0x34: {  	[smem:$0x3FA6] =	sst s10  }
0x35: {  	s10 =	sld [smem:$0x3FA5];
	_ =	sdelay $0x3  }
0x36: {  	p1 =	seq.s32 s10, $0x1;
	s10 =	sld [smem:$0x3FA6];
	_ =	sdelay $0x3  }
0x37: {  	[smem:$0x3FA6] =	sst s10  }
0x38: {  	s10 =	sld [smem:$0x3FA7]  }
0x39: {  	_ = 	snop;
	(pc) =	sbr.ind lr, $3  }
0x3a: {  	_ = 	snop  }
0x3b: {  	_ = 	snop  }
0x3c: {  	p2 =	seq.s32 s10, $0x1;
	s10 =	sld [smem:$0x3FA6]  }
0x3d: {  	_ =	shalt  }
0x3e: {  	_ =	shalt  }
0x3f: {  	_ =	shalt  }
0x40: {  	_ =	shalt  }
0x41: {  	_ =	shalt  }
0x42: {  	_ =	shalt  }
0x43: {  	_ =	shalt  }
0x44: {  	_ =	shalt  }
0x45: {  	_ =	shalt  }
0x46: {  	_ =	shalt  }
0x47: {  	_ =	shalt  }
0x48: {  	_ =	shalt  }
0x49: {  	_ =	shalt  }
0x4a: {  	_ =	shalt  }
0x4b: {  	_ =	shalt  }
0x4c: {  	_ =	shalt  }
0x4d: {  	_ =	shalt  }
0x4e: {  	_ =	shalt  }
0x4f: {  	_ =	shalt  }
0x50: {  	_ =	shalt  }
0x51: {  	_ =	shalt  }
0x52: {  	_ =	shalt  }
0x53: {  	_ =	shalt  }
0x54: {  	_ =	shalt  }
0x55: {  	_ =	shalt  }
0x56: {  	_ =	shalt  }
0x57: {  	_ =	shalt  }
0x58: {  	_ =	shalt  }
0x59: {  	_ =	shalt  }
0x5a: {  	_ =	shalt  }
0x5b: {  	_ =	shalt  }
0x5c: {  	_ =	shalt  }
0x5d: {  	_ =	shalt  }
0x5e: {  	_ =	shalt  }
0x5f: {  	_ =	shalt  }
0x60: {  	_ =	shalt  }
0x61: {  	_ =	shalt  }
0x62: {  	_ =	shalt  }
0x63: {  	_ =	shalt  }
0x64: {  	_ =	shalt  }
0x65: {  	_ =	shalt  }
0x66: {  	_ =	shalt  }
0x67: {  	_ =	shalt  }
0x68: {  	_ =	shalt  }
0x69: {  	_ =	shalt  }
0x6a: {  	_ =	shalt  }
0x6b: {  	_ =	shalt  }
0x6c: {  	_ =	shalt  }
0x6d: {  	_ =	shalt  }
0x6e: {  	_ =	shalt  }
0x6f: {  	_ =	shalt  }
0x70: {  	_ =	shalt  }
0x71: {  	_ =	shalt  }
0x72: {  	_ =	shalt  }
0x73: {  	_ =	shalt  }
0x74: {  	_ =	shalt  }
0x75: {  	_ =	shalt  }
0x76: {  	_ =	shalt  }
0x77: {  	_ =	shalt  }
0x78: {  	_ =	shalt  }
0x79: {  	_ =	shalt  }
0x7a: {  	_ =	shalt  }
0x7b: {  	_ =	shalt  }
0x7c: {  	_ =	shalt  }
0x7d: {  	_ =	shalt  }
0x7e: {  	_ =	shalt  }
0x7f: {  	_ =	shalt  }
0x80: {  	_ =	shalt  }
0x81: {  	_ =	shalt  }
0x82: {  	_ =	shalt  }
0x83: {  	_ =	shalt  }
0x84: {  	_ =	shalt  }
0x85: {  	_ =	shalt  }
0x86: {  	_ =	shalt  }
0x87: {  	_ =	shalt  }
.Lfunc_end0:
.L_simem_size_0:
called_computation_lowered:
.L_overlay_start_0:
0x88: {  	s2 =	sld [smem:$0x3FD9]  }
0x89: {  	s3 =	sld [smem:$0x3FFE];
	_ =	sdelay $0x1  }
0x8a: {  	s1 =	srdreg.scid  }
0x8b: {  	s0 =	sand.u32 $0x1, s1  }
0x8c: {  	s17 =	sshll.u32 s0, $0xA;
	s2 =	sadd.s32 s3, s2  }
0x8d: {  	s2 =	sadd.s32 s2, s17  }
0x8e: {  	[smem:$0x3FB2] =	sst s2  }
0x8f: {  	_ = 	snop  }
0x90: {  	s2 =	sld [smem:$0x3FD0];
	(tm) =	ssettm $0x1  }
0x91: {  	s18 =	sld [smem:$0x3FFB];
	_ =	sdelay $0x3  }
0x92: {  	_ =	strace s18  }
0x93: {  	s3 =	sld [smem:$0x3FFC];
	_ =	sdelay $0x3  }
0x94: {  	_ =	strace s3  }
0x95: {  	s3 =	sld [smem:$0x3FFD];
	_ =	sdelay $0x3  }
0x96: {  	_ =	strace s3  }
0x97: {  	_ =	strace $0x8FFFFFFF  }
0x98: {  	s19 =	sld [smem:$0x3FDB];
	_ =	sdelay $0x1  }
0x99: {  	s4 =	simm.s32 $_scs_section_size  }
0x9a: {  	s5 =	simm.s32 $_size__tile_overlayer_lowered;
	s6 =	simm.s32 $_tile_overlayer_lowered  }
0x9b: {  	s22 =	simm.s32 $0x1BFF;
	s21 =	sshll.u32 s6, $0x1;
	s3 =	sadd.s32 s4, s19  }
0x9c: {  	s7 =	simm.s32 $0x0;
	s20 =	sshll.u32 s5, $0x1;
	s5 =	sadd.s32 s21, s3  }
0x9d: {  	[timem:s7], [sflag:s22] =	dma.local [hbm:s5], s20  }
0x9e: {  	_ =	swait.ge [sflag:s22], s20  }
0x9f: {  	s4 =	ssub.s32 $0x0, s20;
	[sflag:s22] =	ssyncset.done $0x0  }
0xa0: {  	[sflag:s22] =	ssyncadd.s32 s4;
	_ =	sdelay $0x1  }
0xa1: {  	s23 =	simm.s32 $0x1B8B  }
0xa2: {  	_ =	swait.ge [sflag:s23], $0x1  }
0xa3: {  	[sflag:s23] =	ssyncset.done $0x0  }
0xa4: {  	s25 =	simm.s32 $0x1B8E;
	s24 =	sld [smem:$0x3FFE];
	[sflag:s23] =	ssyncadd.s32 $0xFFFFFFFF  }
0xa5: {  	s26 =	simm.s32 $execute0_lowered;
	[smem:$0x3FD2] =	sst s25  }
0xa6: {  	s5 =	sshll.u32 s26, $0x1;
	_ =	strace $0x80000046;
	[dreg:$0x1] =	wrdreg $0xFFFFFFFF  }
0xa7: {  	s28 =	simm.s32 $_size_execute0_lowered;
	s3 =	sadd.s32 s3, s5;
	[dreg:$0x0] =	wrdreg $0x0  }
0xa8: {  	s5 =	sshll.u32 s28, $0x1;
	[dreg:$0x2] =	wrdreg s3  }
0xa9: {  	[dreg:$0x3] =	wrdreg s5  }
0xaa: {  	[dreg:$0x4] =	wrdreg $0xC0  }
0xab: {  	_ =	task [dreg:s7], $0x5FFFF  }
0xac: {  	[dreg:$0x1] =	wrdreg $0xFFFFFFFF  }
0xad: {  	[dreg:$0x0] =	wrdreg $0x60  }
0xae: {  	[dreg:$0x2] =	wrdreg s24  }
0xaf: {  	[dreg:$0x3] =	wrdreg s2  }
0xb0: {  	[dreg:$0x4] =	wrdreg $0x9  }
0xb1: {  	_ =	task.clear_ibuf [dreg:s7], $0x5FFFF;
	_ =	strace $0x90000046  }
0xb2: {  	s29 =	simm.s32 $0x9;
	_ =	strace $0x80000048  }
0xb3: {  	_ =	swait.ge [sflag:s29], $0x1  }
0xb4: {  	[sflag:s29] =	ssyncadd.s32 $0xFFFFFFFF  }
0xb5: {  	_ =	strace $0x90000048  }
0xb6: {  	_ =	sfence  }
0xb7: {  	s30 =	sld [smem:$0x0];
	_ =	sdelay $0x2  }
0xb8: {  	s31 =	sshll.u32 s1, $0xD;
	s1 =	sshrl.u32 s1, $0x2  }
0xb9: {  	s3 =	sand.u32 $0x4000, s31;
	s1 =	sadd.s32 s1, s30  }
0xba: {  	s0 =	sor.u32 s3, s0;
	s1 =	sshll.u32 s1, $0x11  }
0xbb: {  	s0 =	sor.u32 s1, s0  }
0xbc: {  	s0 =	sadd.s32 $0x8F2B, s0  }
0xbd: {  	[sflag:s0] =	ssyncadd.remote.s32 $0x1  }
0xbe: {  	_ =	sfence.sel $0xFFFF  }
0xbf: {  	[dreg:$0x0] =	wrdreg $0xFFFFFFFF;
	(pc) =	sbr.abs _section_cstart, $3  }
0xc0: {  	[dreg:$0x1] =	wrdreg $0xFFFFFFFF  }
0xc1: {  	_ =	task.clear_ibuf [dreg:s7], $0x2FFFF;
	_ =	strace $0x9FFFFFFF  }
0xc2: {  	(tm) =	ssettm $0x7FFFFFFF  }
0xc3: {  	_ =	shalt  }
tec
execute0_lowered:
.L_overlay_start_1:
0x0: {  	(tag) =	ssettag $0x1  }
0x1: {  	s2 =	rddreg [dreg:$0x0]  }
0x2: {  	s3 =	rddreg [dreg:$0x1]  }
0x3: {  	s0 =	rddreg [dreg:$0x2];
	s1 =	srdreg.scid;
	_ =	strace $0x80000047  }
0x4: {  	s4 =	simm.s32 $0x1;
	s9 =	simm.s32 $0x3;
	s5 =	sshll.u32 s1, $0x4  }
.Ltmp0:
0x5: {  	s1 =	stileid.u32;
	s5 =	sand.u32 $0x10, s5;
	(pc) =	sbr.rel .LBB2_1-.Ltmp0, $4  }
0x6: {  	s12 =	simm.s32 $0x0;
	s10 =	simm.s32 $0x0;
	s6 =	sor.u32 s1, s5  }
0x7: {  	[sflag:s4] =	ssyncpa.u1 $0x0;
	s5 =	simm.s32 $0x2;
	s6 =	sshll.u32 s6, $0x6  }
0x8: {  	s7 =	sadd.s32 $0x8000, s2;
	[sflag:s5] =	ssyncpa.u1 $0x0;
	s8 =	sadd.s32 $0x40, s6  }
0x9: {  	vm0 =	vmmov $0xff;
	vm1 =	vcmask $0x3F20;
	[sflag:s9] =	ssyncpa.u1 $0x0;
	s9 =	simm.s32 $0x40;
	s11 =	smov.u32 s6  }
.LBB2_9:
0xa: {  	p0 =	seq.s32 s10, $0x2  }
.Ltmp1:
0xb: {  	_ = 	snop;
	(pc) =	sbr.rel @p0 .LBB2_11-.Ltmp1, $1  }
0xc: {  	_ =	sdelay $0x3  }
.LBB2_10:
0xd: {  	s12 =	sadd.s32 $0x40, s11  }
0xe: {  	s13 =	smov.u32 s6;
	p0 =	slt.s32 s12, s8  }
0xf: {  	s13 =	smov.u32 @p0 s12  }
0x10: {  	s10 =	sadd.s32 $0x1, s10;
	s12 =	smov.u32 s11;
	s11 =	smov.u32 s13  }
.LBB2_1:
0x11: {  	p0 =	sne.s32 s10, $0x0  }
.Ltmp2:
0x12: {  	_ = 	snop;
	(pc) =	sbr.rel @!p0 .LBB2_2-.Ltmp2, $1  }
0x13: {  	_ =	sdelay $0x3  }
0x14: {  	s13 =	sand.u32 $0x1, s10  }
0x15: {  	p0 =	seq.s32 s13, $0x0  }
.Ltmp3:
0x16: {  	_ = 	snop;
	(pc) =	sbr.rel @p0 .LBB2_9-.Ltmp3, $1  }
0x17: {  	_ =	sdelay $0x3  }
0x18: {  	_ =	swait.ge [sflag:s5], $0x40  }
0x19: {  	[sflag:s5] =	ssyncset.done $0x0  }
0x1a: {  	s13 =	simm.s32 $0x0;
	[sflag:s5] =	ssyncadd.s32 $0xFFFFFFC0  }
0x1b: {  	v0 =	vld.msk [tilespmem:s13+$0x40 ss:$0x1], $0xffff;
	_ =	sdelay $0x4  }
0x1c: {  	vm2 =	vgt.s32 v0, $0x0  }
0x1d: {  	v0 =	vnsel vm2, $0x0, v0  }
0x1e: {  	v0 =	vmin.u32 v0, $0x7FF  }
0x1f: {  	v0 =	vshll.u32 v0, $0x4;
	_ =	sdelay $0x3  }
0x20: {  	s13 =	simm.s32 $0x2080  }
0x21: {  	[tilespmem:s13], [sflag:$0x1] =	stream.indirect_vreg.gather [hbm:s2], $0x80, v0, vm0, $0x38;
	[tilespmem:$0x4080] =	vst v63  }
0x22: {  	s14 =	simm.s32 $0x2480;
	s31 =	simm.s32 $0x10  }
0x23: {  	[tilespmem:s14], [sflag:$0x1] =	stream.indirect_vreg.gather [hbm:s2], $0x80, v0, vm1, $0x38;
	[tilespmem:$0x4080] =	vst v63  }
0x24: {  	s14 =	simm.s32 $0x80;
	v0 =	vld.msk [tilespmem:s31+$0x40 ss:$0x1], $0xffff  }
.LBB2_5:
0x25: {  	p0 =	sne.s32 s14, $0xC0;
	_ =	sdelay $0x4  }
0x26: {  	vm2 =	vgt.s32 v0, $0x0  }
0x27: {  	v0 =	vnsel vm2, $0x0, v0  }
0x28: {  	v0 =	vmin.u32 v0, $0x7FF  }
0x29: {  	v0 =	vshll.u32 v0, $0x4;
	_ =	sdelay $0x3  }
.Ltmp4:
0x2a: {  	s13 =	sadd.s32 $0x800, s13;
	(pc) =	sbr.rel @p0 .LBB2_5-.Ltmp4, $4  }
0x2b: {  	[tilespmem:s13], [sflag:$0x1] =	stream.indirect_vreg.gather [hbm:s2], $0x80, v0, vm0, $0x38;
	[tilespmem:$0x4080] =	vst v63  }
0x2c: {  	s15 =	sshra.s32 s14, $0x2;
	s16 =	sadd.s32 $0x400, s13  }
0x2d: {  	[tilespmem:s16], [sflag:$0x1] =	stream.indirect_vreg.gather [hbm:s2], $0x80, v0, vm1, $0x38;
	[tilespmem:$0x4080] =	vst v63  }
0x2e: {  	s14 =	sadd.s32 $0x40, s14;
	v0 =	vld.msk [tilespmem:s15+$0x40 ss:$0x1], $0xffff  }
0x2f: {  	_ =	sdelay $0x3  }
0x30: {  	vm2 =	vgt.s32 v0, $0x0  }
0x31: {  	v0 =	vnsel vm2, $0x0, v0  }
0x32: {  	v0 =	vmin.u32 v0, $0x7FF  }
0x33: {  	v0 =	vshll.u32 v0, $0x4;
	_ =	sdelay $0x3  }
0x34: {  	s13 =	sadd.s32 $0x800, s13  }
0x35: {  	[tilespmem:s13], [sflag:$0x1] =	stream.indirect_vreg.gather [hbm:s2], $0x80, v0, vm0, $0x38;
	[tilespmem:$0x4080] =	vst v63  }
0x36: {  	s13 =	sadd.s32 $0x400, s13  }
0x37: {  	[tilespmem:s13], [sflag:$0x1] =	stream.indirect_vreg.gather [hbm:s2], $0x80, v0, vm1, $0x38;
	[tilespmem:$0x4080] =	vst v63  }
0x38: {  	s12 =	sshll.u32 s12, $0x4;
	s14 =	simm.s32 $0x80;
	_ =	swait.ge [sflag:s4], $0x2000  }
0x39: {  	s15 =	simm.s32 $0x2480;
	s12 =	sadd.s32 s12, s7;
	[sflag:s4] =	ssyncset.done $0x0  }
0x3a: {  	s16 =	sadd.s32 $0x0, s12;
	s13 =	simm.s32 $0x2080;
	[sflag:s4] =	ssyncadd.s32 $0xFFFFE000  }
.LBB2_7:
0x3b: {  	[hbm:s16] =	stream.linear.scatter [tilespmem:s13], [sflag:$0x3], $0x400, $0x38;
	[tilespmem:$0x4080] =	vst v63  }
0x3c: {  	s16 =	smov.u32 s14;
	s13 =	smov.u32 s15;
	p0 =	sne.s32 s14, $0x380  }
.Ltmp5:
0x3d: {  	s14 =	sadd.s32 $0x80, s14;
	(pc) =	sbr.rel @p0 .LBB2_7-.Ltmp5, $2  }
0x3e: {  	_ =	sdelay $0x2  }
0x3f: {  	s15 =	sadd.s32 $0x400, s15;
	s16 =	sadd.s32 s16, s12  }
.Ltmp6:
0x40: {  	(pc) =	sbr.rel .LBB2_9-.Ltmp6, $2  }
0x41: {  	_ =	sdelay $0x2  }
0x42: {  	[hbm:s16] =	stream.linear.scatter [tilespmem:s13], [sflag:$0x3], $0x400, $0x38;
	[tilespmem:$0x4080] =	vst v63  }
.LBB2_2:
.Ltmp7:
0x43: {  	(pc) =	sbr.rel .LBB2_10-.Ltmp7, $4  }
0x44: {  	_ = 	snop  }
0x45: {  	s12 =	sshrl.u32 s11, $0x3  }
0x46: {  	s13 =	sand.u32 $0x7, s11;
	s12 =	sadd.s32 s3, s12  }
0x47: {  	[tilespmem:s9], [sflag:$0x2] =	stream.linear.gather [hbm4b:s12+s13], $0x40, $0x38;
	[tilespmem:$0x4080] =	vst v63  }
.LBB2_11:
0x48: {  	s2 =	simm.s32 $0x3  }
0x49: {  	_ =	swait.ge [sflag:s2], $0x2000  }
0x4a: {  	[sflag:s2] =	ssyncset.done $0x0  }
0x4b: {  	[sflag:s2] =	ssyncadd.s32 $0xFFFFE000  }
0x4c: {  	_ =	sfence.sel $0x180000  }
0x4d: {  	s3 =	simm.s32 $0x2;
	[bflag:$0x0] =	sbarrier.arrive $0xFFFF  }
0x4e: {  	[sflag:s3] =	ssyncpa.u1 $0x1  }
0x4f: {  	s31 =	simm.s32 $0x1;
	[sflag:s2] =	ssyncpa.u1 $0x1  }
0x50: {  	[sflag:s31] =	ssyncpa.u1 $0x1  }
0x51: {  	p0 =	sne.s32 s1, $0x0;
	_ =	strace $0x90000047  }
0x52: {  	s0 =	sadd.s32 @!p0 $0x100000, s0;
	[bflag:$0x2] =	sbarrier.arrive $0xFFFF  }
0x53: {  	[sflag:s0] =	ssyncadd.tile.s32 @!p0 $0x1;
	_ =	shalt  }
.Lfunc_end2:
_tile_overlayer_lowered:
.L_overlay_start_2:
0x54: {  	(tag) =	ssettag $0x2  }
0x55: {  	s0 =	rddreg [dreg:$0x0];
	s2 =	stileid.u32  }
0x56: {  	s1 =	rddreg [dreg:$0x1];
	p0 =	sne.s32 s2, $0x0  }
0x57: {  	s3 =	rddreg [dreg:$0x2];
	[bflag:$0x3] =	sbarrier.arrive $0xFFFF;
	s2 =	simm.s32 @!p0 $0x1C01  }
0x58: {  	[timem:s3], [sflag:s2] =	dma.local @!p0 [hbm:s0], s1  }
0x59: {  	s0 =	simm.s32 @!p0 $0x1  }
0x5a: {  	_ =	swait.ge @!p0 [sflag:s0], s1  }
0x5b: {  	s1 =	ssub.s32 @!p0 $0x0, s1;
	[sflag:s0] =	ssyncset.done @!p0 $0x0  }
0x5c: {  	[sflag:s0] =	ssyncadd.s32 @!p0 s1  }
0x5d: {  	[bflag:$0x3] =	sbarrier.arrive $0xFFFF  }
0x5e: {  	_ =	shalt  }

</sc_bundles>
